<compile_context>
chip_gen: v7x
topology: tpu7x:2x2x1
jax: 0.10.2.dev20260603
libtpu: 0.0.44.dev20260713+nightly
codegen_flags: <defaults>
</compile_context>

<pallas_src>
import functools

import jax
import jax.numpy as jnp
import numpy as np
from jax import lax
from jax.experimental import pallas as pl
from jax.experimental.pallas import tpu as pltpu
from jax.experimental.pallas import tpu_sc as plsc

_PAIRS = ((0, 0), (1, 1), (2, 2), (3, 3),
          (0, 1), (0, 2), (0, 3), (1, 2), (1, 3), (2, 3))
_NWORK = 32


def _selector_mats():
    a_s = np.zeros((4, 32), np.float32)
    a_v = np.zeros((12, 32), np.float32)
    b_v = np.zeros((12, 32), np.float32)
    bias = np.zeros((1, 32), np.float32)
    cmat = np.zeros((32, 16), np.float32)
    for k, (a, b) in enumerate(_PAIRS):
        for d in range(3):
            a_v[4 * d + a, 3 * k + d] = 1.0
            b_v[4 * d + b, 3 * k + d] = 1.0
            cmat[3 * k + d, k] = 1.0
    a_s[:, 30] = 1.0
    bias[0, 30] = 1.0
    cmat[30, 10] = 1.0
    return a_s, a_v, b_v, bias, cmat


def _dot(a, b):
    return jax.lax.dot(a, b, preferred_element_type=jnp.float32)


def _edge_body(gs_ref, gv_ref, a_s, a_v, b_v, bias, cmat, rows_ref):
    z1 = _dot(gs_ref[...], a_s[...]) + _dot(gv_ref[...], a_v[...])
    z2 = _dot(gv_ref[...], b_v[...]) + bias[...]
    w = z1 * z2
    hi = w.astype(jnp.bfloat16).astype(jnp.float32)
    lo = w - hi
    rows_ref[...] = _dot(hi, cmat[...]) + _dot(lo, cmat[...])


def _edge_rows(gs, gv2d):
    e = gs.shape[0]
    be = 4000
    consts = tuple(jnp.asarray(m) for m in _selector_mats())

    def row(shape):
        return pl.BlockSpec(shape, lambda i: (i, 0))

    def full(shape):
        return pl.BlockSpec(shape, lambda i: (0, 0))

    return pl.pallas_call(
        _edge_body,
        grid=(e // be,),
        in_specs=[row((be, 4)), row((be, 12))] + [full(c.shape) for c in consts],
        out_specs=row((be, 16)),
        out_shape=jax.ShapeDtypeStruct((e, 16), jnp.float32),
    )(gs, gv2d, *consts)


def _make_sc_kernel(n_pad, e):
    w_per = e // _NWORK
    nps = n_pad // 16
    mesh = plsc.VectorSubcoreMesh(core_axis_name="c", subcore_axis_name="s")

    @functools.partial(
        pl.kernel,
        mesh=mesh,
        compiler_params=pltpu.CompilerParams(use_tc_tiling_on_sc=False),
        out_type=jax.ShapeDtypeStruct((2, n_pad, 16), jnp.float32),
        scratch_types=[
            pltpu.VMEM((w_per, 16), jnp.float32),
            pltpu.VMEM((w_per,), jnp.int32),
            pltpu.VMEM((nps, 16), jnp.float32),
            pltpu.VMEM_SHARED((n_pad, 16), jnp.float32),
        ],
    )
    def sc_kernel(rows_hbm, idx_hbm, out_hbm, rowbuf, ibuf, zbuf, acc):
        cid = lax.axis_index("c")
        sid = lax.axis_index("s")
        wid = sid * 2 + cid
        base = wid * w_per
        zero16 = jnp.zeros((16,), jnp.float32)

        def zrow(i, t):
            zbuf[i, :] = zero16
            return t

        lax.fori_loop(0, nps, zrow, 0)
        pltpu.sync_copy(zbuf, acc.at[pl.ds(sid * nps, nps)])
        plsc.subcore_barrier()

        pltpu.sync_copy(rows_hbm.at[pl.ds(base, w_per)], rowbuf)
        pltpu.sync_copy(idx_hbm.at[1, pl.ds(base, w_per)], ibuf)
        pltpu.sync_copy(rowbuf, acc.at[ibuf], add=True)

        plsc.subcore_barrier()
        pltpu.sync_copy(acc.at[pl.ds(sid * nps, nps)],
                        out_hbm.at[cid, pl.ds(sid * nps, nps)])

    return sc_kernel


def _sc_partials(rows, idx, n_pad):
    return _make_sc_kernel(n_pad, rows.shape[0])(rows, idx)


def _node_body(accp, emb, q, agh3, w1, b1, w2, b2, w3, b3,
               out_a, out_q, out_f):
    gs16 = accp[0, :, :] + accp[1, :, :]
    s = gs16[:, 10:11]
    e = emb[...]
    w1v = w1[...]
    t = _dot(e, jnp.reshape(agh3[...], (agh3.shape[0], 32)))
    t = t.astype(jnp.bfloat16).astype(jnp.float32)
    wts = (1.0, 1.0, 1.0, 1.0, 2.0, 2.0, 2.0, 2.0, 2.0, 2.0)
    vec = None
    for k, ((a, b), w) in enumerate(zip(_PAIRS, wts)):
        term = gs16[:, k:k + 1] * (t[:, 8 * a:8 * a + 8] * t[:, 8 * b:8 * b + 8])
        if w != 1.0:
            term = term * w
        vec = term if vec is None else vec + term
    f = e.shape[1]
    h = (_dot(s * e, w1v[0:f, :])
         + _dot(vec, w1v[f:f + 8, :])
         + (s * q[...]) * w1v[f + 8:f + 9, :] + jnp.reshape(b1[...], (1, -1)))
    h = jax.nn.gelu(h)
    h = jax.nn.gelu(_dot(h, w2[...]) + jnp.reshape(b2[...], (1, -1)))
    out = _dot(h, w3[...]) + jnp.reshape(b3[...], (1, -1))
    out_a[...] = out[:, 2:]
    out_q[...] = out[:, 0:1]
    out_f[...] = out[:, 1:2]


def _node_call(accp, emb, q, agh3, w1, b1, w2, b2, w3, b3):
    n, f = emb.shape
    bn = 1000 if n % 1000 == 0 else n
    grid = (n // bn,)

    def row(shape):
        return pl.BlockSpec(shape, lambda i: (i, 0))

    def full2(shape):
        return pl.BlockSpec(shape, lambda i: (0, 0))

    return pl.pallas_call(
        _node_body,
        grid=grid,
        in_specs=[
            pl.BlockSpec((2, bn, 16), lambda i: (0, i, 0)),
            row((bn, f)), row((bn, 1)),
            pl.BlockSpec(agh3.shape, lambda i: (0, 0, 0)),
            full2(w1.shape), pl.BlockSpec(b1.shape, lambda i: (0,)),
            full2(w2.shape), pl.BlockSpec(b2.shape, lambda i: (0,)),
            full2(w3.shape), pl.BlockSpec(b3.shape, lambda i: (0,)),
        ],
        out_specs=[row((bn, f)), row((bn, 1)), row((bn, 1))],
        out_shape=[
            jax.ShapeDtypeStruct((n, f), jnp.float32),
            jax.ShapeDtypeStruct((n, 1), jnp.float32),
            jax.ShapeDtypeStruct((n, 1), jnp.float32),
        ],
    )(accp, emb, q, agh3, w1, b1, w2, b2, w3, b3)


def kernel(atomic_embedding, partial_charges, pair_indices, gs, gv, agh,
           W1, b1, W2, b2, W3, b3):
    n, f = atomic_embedding.shape
    e, g = gs.shape

    rows = _edge_rows(gs, gv.reshape(e, 3 * g))

    n_pad = ((n + 127) // 128) * 128
    partials = _sc_partials(rows, pair_indices, n_pad)

    out_a, out_q, out_f = _node_call(
        partials, atomic_embedding, partial_charges, agh,
        W1, b1, W2, b2, W3, b3)
    return (out_a, out_q, out_f)

# --- scband reference (transcript-rebuilt; emitter-appended) ---
"""Pipeline reference for scband-aimnet2-interaction-module-18872086298699 (READ-ONLY COPY).

The authoritative reference and input builder live on the scoring server;
editing this copy changes nothing except your own understanding.
"""

import jax, jax.numpy as jnp
import numpy as np

N = 10000
E = 160000
F = 128
G = 4
V = 8

def setup_inputs(seed: int = 0):
    key = jax.random.key(seed)
    ks = jax.random.split(key, 12)
    inp = {}
    inp["atomic_embedding"] = jax.random.normal(ks[0], (N, F), dtype=jnp.float32)
    inp["partial_charges"] = jax.random.normal(ks[1], (N, 1), dtype=jnp.float32)
    inp["pair_indices"] = jax.random.randint(ks[2], (2, E), 0, N, dtype=jnp.int32)
    inp["gs"] = jax.random.normal(ks[3], (E, G), dtype=jnp.float32)
    inp["gv"] = jax.random.normal(ks[4], (E, 3, G), dtype=jnp.float32)
    inp["agh"] = jax.random.normal(ks[5], (F, G, V), dtype=jnp.float32)
    d_in = F + V + 1 + V
    inp["W1"] = jax.random.normal(ks[6], (d_in, 128), dtype=jnp.float32) * (1.0 / np.sqrt(d_in))
    inp["b1"] = jnp.zeros((128,), dtype=jnp.float32)
    inp["W2"] = jax.random.normal(ks[7], (128, 128), dtype=jnp.float32) * (1.0 / np.sqrt(128))
    inp["b2"] = jnp.zeros((128,), dtype=jnp.float32)
    inp["W3"] = jax.random.normal(ks[8], (128, F + 2), dtype=jnp.float32) * (1.0 / np.sqrt(128))
    inp["b3"] = jnp.zeros((F + 2,), dtype=jnp.float32)
    return inp

def _radial(gs, a_j, idx_j, n_atoms):
    avf_s = (gs[:, :, None] * a_j[:, None, :]).sum(axis=1)
    return jnp.zeros((n_atoms, avf_s.shape[-1]), dtype=avf_s.dtype).at[idx_j].add(avf_s)

def _vector(gv, a_j, idx_j, agh, n_atoms):
    avf_v = jnp.einsum('pa,pdg,agh->phd', a_j, gv, agh)
    sq = jnp.sum(avf_v ** 2, axis=-1)
    return jnp.zeros((n_atoms, sq.shape[-1]), dtype=sq.dtype).at[idx_j].add(sq)

def reference(atomic_embedding, partial_charges, pair_indices, gs, gv, agh, W1, b1, W2, b2, W3, b3):
    n_atoms = atomic_embedding.shape[0]
    idx_j = pair_indices[1]
    a_j = atomic_embedding[idx_j]
    radial_emb = _radial(gs, a_j, idx_j, n_atoms)
    vector_emb = _vector(gv, a_j, idx_j, agh, n_atoms)
    q_j = partial_charges[idx_j]
    radial_q = _radial(gs, q_j, idx_j, n_atoms)
    vector_q = jnp.zeros((n_atoms, V), dtype=jnp.float32)
    combined = jnp.concatenate([radial_emb, vector_emb, radial_q, vector_q], axis=1)
    h = jax.nn.gelu(combined @ W1 + b1)
    h = jax.nn.gelu(h @ W2 + b2)
    out = h @ W3 + b3
    delta_q = out[:, 0:1]
    f = out[:, 1:2]
    delta_a = out[:, 2:]
    return (delta_a, delta_q, f)

if __name__ == "__main__":
    import jax
    _d = setup_inputs()
    print(jax.jit(kernel)(*tuple(_d.values())))

</pallas_src>

<mosaic_0001>
#map = affine_map<(d0, d1) -> (0, 0)>
#map1 = affine_map<(d0, d1) -> (0, 0, 0)>
module attributes {stable_mosaic.version = 14 : i64} {
  func.func @sc_kernel(%arg0: i32, %arg1: i32, %arg2: memref<160000x16xf32, #tpu.memory_space<hbm>>, %arg3: memref<2x160000xi32, #tpu.memory_space<hbm>>, %arg4: memref<2x10112x16xf32, #tpu.memory_space<hbm>>, %arg5: memref<5000x16xf32, #tpu.memory_space<vmem>>, %arg6: memref<5000xi32, #tpu.memory_space<vmem>>, %arg7: memref<632x16xf32, #tpu.memory_space<vmem>>, %arg8: memref<10112x16xf32, #tpu.memory_space<vmem_shared>>) attributes {dimension_semantics = [#tpu.dimension_semantics<core_parallel>, #tpu.dimension_semantics<subcore_parallel>], iteration_bounds = array<i64: 2, 16>, scalar_prefetch = 0 : i64, scratch_operands = 4 : i64, tpu.core_type = #tpu.core_type<sc_vector_subcore>, window_params = [{transform_indices = #map}, {transform_indices = #map}, {transform_indices = #map1}]} {
    %mul3A = arith.constant 2 : i32
    %mul3A_0 = arith.muli %arg1, %mul3A : i32
    %add3A = arith.addi %mul3A_0, %arg0 : i32
    %mul3A_1 = arith.constant 5000 : i32
    %mul3A_2 = arith.muli %add3A, %mul3A_1 : i32
    %broadcast_in_dim3A = arith.constant 0.000000e+00 : f32
    %broadcast_in_dim3A_3 = vector.broadcast %broadcast_in_dim3A : f32 to vector<16xf32>
    %scan3A = arith.constant 0 : i32
    %scan3A_4 = arith.constant 0 : i32
    %scan3A_5 = arith.constant 632 : i32
    %scan3A_6 = arith.addi %scan3A_4, %scan3A_5 : i32
    %scan3A_7 = arith.constant 1 : i32
    scf.for %scan3A_16 = %scan3A_4 to %scan3A_6 step %scan3A_7  : i32 {
      %swap3A = arith.index_cast %scan3A_16 : i32 to index
      %swap3A_17 = arith.constant 0 : index
      %swap3A_18 = tpu.vector_load %arg7[%swap3A, %swap3A_17] {strides = array<i32>} : memref<632x16xf32, #tpu.memory_space<vmem>>, vector<1x16xf32>,
      %swap3A_19 = vector.shape_cast %swap3A_18 : vector<1x16xf32> to vector<16xf32>
      %swap3A_20 = vector.shape_cast %broadcast_in_dim3A_3 : vector<16xf32> to vector<1x16xf32>
      tpu.vector_store %arg7[%swap3A, %swap3A_17], %swap3A_20 {strides = array<i32>} : memref<632x16xf32, #tpu.memory_space<vmem>>, vector<1x16xf32>,
    }
    %scan3A_8 = arith.constant 632 : i32
    %mul3A_9 = arith.constant 632 : i32
    %mul3A_10 = arith.muli %arg1, %mul3A_9 : i32
    "tpu.region"() ({
      %run_scoped3A_16 = tpu.sem_alloc : memref<!tpu.dma_semaphore, #tpu.memory_space<semaphore_mem>>
      %dma_start3A = arith.constant 0 : i32
      %dma_start3A_17 = tpu.memref_slice %arg8[%mul3A_10, %dma_start3A] : memref<10112x16xf32, #tpu.memory_space<vmem_shared>> -> memref<632x16xf32, #tpu.memory_space<vmem_shared>>
      %dma_start3A_18 = arith.constant 0 : i32
      %dma_start3A_19 = tpu.memref_slice %arg8[%mul3A_10, %dma_start3A_18] : memref<10112x16xf32, #tpu.memory_space<vmem_shared>> -> memref<632x16xf32, #tpu.memory_space<vmem_shared>>
      tpu.enqueue_dma source(%arg7 : memref<632x16xf32, #tpu.memory_space<vmem>>) target(%dma_start3A_19 : memref<632x16xf32, #tpu.memory_space<vmem_shared>>) target_semaphore(%run_scoped3A_16 : memref<!tpu.dma_semaphore, #tpu.memory_space<semaphore_mem>>)
      %dma_wait3A = arith.constant 0 : i32
      %dma_wait3A_20 = tpu.memref_slice %arg8[%mul3A_10, %dma_wait3A] : memref<10112x16xf32, #tpu.memory_space<vmem_shared>> -> memref<632x16xf32, #tpu.memory_space<vmem_shared>>
      %dma_wait3A_21 = arith.constant 0 : i32
      %dma_wait3A_22 = tpu.memref_slice %arg8[%mul3A_10, %dma_wait3A_21] : memref<10112x16xf32, #tpu.memory_space<vmem_shared>> -> memref<632x16xf32, #tpu.memory_space<vmem_shared>>
      tpu.wait_dma2 semaphore(%run_scoped3A_16 : memref<!tpu.dma_semaphore, #tpu.memory_space<semaphore_mem>>) src(%arg7 : memref<632x16xf32, #tpu.memory_space<vmem>>) dst(%dma_wait3A_22 : memref<632x16xf32, #tpu.memory_space<vmem_shared>>)
      tpu.yield
    }) : () -> ()
    %barrier3A = arith.constant 0 : index
    tpu.barrier barrier_id(%barrier3A)
    "tpu.region"() ({
      %run_scoped3A_16 = tpu.sem_alloc : memref<!tpu.dma_semaphore, #tpu.memory_space<semaphore_mem>>
      %dma_start3A = arith.constant 0 : i32
      %dma_start3A_17 = tpu.memref_slice %arg2[%mul3A_2, %dma_start3A] : memref<160000x16xf32, #tpu.memory_space<hbm>> -> memref<5000x16xf32, #tpu.memory_space<hbm>>
      %dma_start3A_18 = arith.constant 0 : i32
      %dma_start3A_19 = tpu.memref_slice %arg2[%mul3A_2, %dma_start3A_18] : memref<160000x16xf32, #tpu.memory_space<hbm>> -> memref<5000x16xf32, #tpu.memory_space<hbm>>
      tpu.enqueue_dma source(%dma_start3A_19 : memref<5000x16xf32, #tpu.memory_space<hbm>>) target(%arg5 : memref<5000x16xf32, #tpu.memory_space<vmem>>) target_semaphore(%run_scoped3A_16 : memref<!tpu.dma_semaphore, #tpu.memory_space<semaphore_mem>>)
      %dma_wait3A = arith.constant 0 : i32
      %dma_wait3A_20 = tpu.memref_slice %arg2[%mul3A_2, %dma_wait3A] : memref<160000x16xf32, #tpu.memory_space<hbm>> -> memref<5000x16xf32, #tpu.memory_space<hbm>>
      %dma_wait3A_21 = arith.constant 0 : i32
      %dma_wait3A_22 = tpu.memref_slice %arg2[%mul3A_2, %dma_wait3A_21] : memref<160000x16xf32, #tpu.memory_space<hbm>> -> memref<5000x16xf32, #tpu.memory_space<hbm>>
      tpu.wait_dma2 semaphore(%run_scoped3A_16 : memref<!tpu.dma_semaphore, #tpu.memory_space<semaphore_mem>>) src(%dma_wait3A_22 : memref<5000x16xf32, #tpu.memory_space<hbm>>) dst(%arg5 : memref<5000x16xf32, #tpu.memory_space<vmem>>)
      tpu.yield
    }) : () -> ()
    %run_scoped3A = arith.constant 1 : i32
    "tpu.region"() ({
      %run_scoped3A_16 = tpu.sem_alloc : memref<!tpu.dma_semaphore, #tpu.memory_space<semaphore_mem>>
      %dma_start3A = tpu.memref_slice %arg3[%run_scoped3A, %mul3A_2] : memref<2x160000xi32, #tpu.memory_space<hbm>> -> memref<1x5000xi32, #tpu.memory_space<hbm>>
      %dma_start3A_17 = tpu.memref_squeeze %dma_start3A : memref<1x5000xi32, #tpu.memory_space<hbm>> -> memref<5000xi32, #tpu.memory_space<hbm>>
      %dma_start3A_18 = tpu.memref_slice %arg3[%run_scoped3A, %mul3A_2] : memref<2x160000xi32, #tpu.memory_space<hbm>> -> memref<1x5000xi32, #tpu.memory_space<hbm>>
      %dma_start3A_19 = tpu.memref_squeeze %dma_start3A_18 : memref<1x5000xi32, #tpu.memory_space<hbm>> -> memref<5000xi32, #tpu.memory_space<hbm>>
      tpu.enqueue_dma source(%dma_start3A_19 : memref<5000xi32, #tpu.memory_space<hbm>>) target(%arg6 : memref<5000xi32, #tpu.memory_space<vmem>>) target_semaphore(%run_scoped3A_16 : memref<!tpu.dma_semaphore, #tpu.memory_space<semaphore_mem>>)
      %dma_wait3A = tpu.memref_slice %arg3[%run_scoped3A, %mul3A_2] : memref<2x160000xi32, #tpu.memory_space<hbm>> -> memref<1x5000xi32, #tpu.memory_space<hbm>>
      %dma_wait3A_20 = tpu.memref_squeeze %dma_wait3A : memref<1x5000xi32, #tpu.memory_space<hbm>> -> memref<5000xi32, #tpu.memory_space<hbm>>
      %dma_wait3A_21 = tpu.memref_slice %arg3[%run_scoped3A, %mul3A_2] : memref<2x160000xi32, #tpu.memory_space<hbm>> -> memref<1x5000xi32, #tpu.memory_space<hbm>>
      %dma_wait3A_22 = tpu.memref_squeeze %dma_wait3A_21 : memref<1x5000xi32, #tpu.memory_space<hbm>> -> memref<5000xi32, #tpu.memory_space<hbm>>
      tpu.wait_dma2 semaphore(%run_scoped3A_16 : memref<!tpu.dma_semaphore, #tpu.memory_space<semaphore_mem>>) src(%dma_wait3A_22 : memref<5000xi32, #tpu.memory_space<hbm>>) dst(%arg6 : memref<5000xi32, #tpu.memory_space<vmem>>)
      tpu.yield
    }) : () -> ()
    "tpu.region"() ({
      %run_scoped3A_16 = tpu.sem_alloc : memref<!tpu.dma_semaphore, #tpu.memory_space<semaphore_mem>>
      %dma_start3A = arith.constant 0 : i32
      %dma_start3A_17 = arith.constant 0 : i32
      %dma_start3A_18 = tpu.memref_slice %arg8[%dma_start3A, %dma_start3A_17] : memref<10112x16xf32, #tpu.memory_space<vmem_shared>> -> memref<10112x16xf32, #tpu.memory_space<vmem_shared>>
      tpu.enqueue_indirect_dma source(%arg5 : memref<5000x16xf32, #tpu.memory_space<vmem>>) target(%dma_start3A_18 : memref<10112x16xf32, #tpu.memory_space<vmem_shared>>) offsets(%arg6 : memref<5000xi32, #tpu.memory_space<vmem>>) semaphore(%run_scoped3A_16 : memref<!tpu.dma_semaphore, #tpu.memory_space<semaphore_mem>>) {add = true}
      %dma_wait3A = arith.constant 0 : i32
      %dma_wait3A_19 = arith.constant 0 : i32
      %dma_wait3A_20 = tpu.memref_slice %arg8[%dma_wait3A, %dma_wait3A_19] : memref<10112x16xf32, #tpu.memory_space<vmem_shared>> -> memref<10112x16xf32, #tpu.memory_space<vmem_shared>>
      tpu.wait_indirect_dma semaphore(%run_scoped3A_16 : memref<!tpu.dma_semaphore, #tpu.memory_space<semaphore_mem>>) src(%arg5 : memref<5000x16xf32, #tpu.memory_space<vmem>>) dst(%dma_wait3A_20 : memref<10112x16xf32, #tpu.memory_space<vmem_shared>>)
      tpu.yield
    }) : () -> ()
    %barrier3A_11 = arith.constant 0 : index
    tpu.barrier barrier_id(%barrier3A_11)
    %mul3A_12 = arith.constant 632 : i32
    %mul3A_13 = arith.muli %arg1, %mul3A_12 : i32
    %mul3A_14 = arith.constant 632 : i32
    %mul3A_15 = arith.muli %arg1, %mul3A_14 : i32
    "tpu.region"() ({
      %run_scoped3A_16 = tpu.sem_alloc : memref<!tpu.dma_semaphore, #tpu.memory_space<semaphore_mem>>
      %dma_start3A = arith.constant 0 : i32
      %dma_start3A_17 = tpu.memref_slice %arg4[%arg0, %mul3A_15, %dma_start3A] : memref<2x10112x16xf32, #tpu.memory_space<hbm>> -> memref<1x632x16xf32, #tpu.memory_space<hbm>>
      %dma_start3A_18 = tpu.memref_squeeze %dma_start3A_17 : memref<1x632x16xf32, #tpu.memory_space<hbm>> -> memref<632x16xf32, #tpu.memory_space<hbm>>
      %dma_start3A_19 = arith.constant 0 : i32
      %dma_start3A_20 = tpu.memref_slice %arg8[%mul3A_13, %dma_start3A_19] : memref<10112x16xf32, #tpu.memory_space<vmem_shared>> -> memref<632x16xf32, #tpu.memory_space<vmem_shared>>
      tpu.enqueue_dma source(%dma_start3A_20 : memref<632x16xf32, #tpu.memory_space<vmem_shared>>) target(%dma_start3A_18 : memref<632x16xf32, #tpu.memory_space<hbm>>) target_semaphore(%run_scoped3A_16 : memref<!tpu.dma_semaphore, #tpu.memory_space<semaphore_mem>>)
      %dma_wait3A = arith.constant 0 : i32
      %dma_wait3A_21 = tpu.memref_slice %arg4[%arg0, %mul3A_15, %dma_wait3A] : memref<2x10112x16xf32, #tpu.memory_space<hbm>> -> memref<1x632x16xf32, #tpu.memory_space<hbm>>
      %dma_wait3A_22 = tpu.memref_squeeze %dma_wait3A_21 : memref<1x632x16xf32, #tpu.memory_space<hbm>> -> memref<632x16xf32, #tpu.memory_space<hbm>>
      %dma_wait3A_23 = arith.constant 0 : i32
      %dma_wait3A_24 = tpu.memref_slice %arg8[%mul3A_13, %dma_wait3A_23] : memref<10112x16xf32, #tpu.memory_space<vmem_shared>> -> memref<632x16xf32, #tpu.memory_space<vmem_shared>>
      tpu.wait_dma2 semaphore(%run_scoped3A_16 : memref<!tpu.dma_semaphore, #tpu.memory_space<semaphore_mem>>) src(%dma_wait3A_24 : memref<632x16xf32, #tpu.memory_space<vmem_shared>>) dst(%dma_wait3A_22 : memref<632x16xf32, #tpu.memory_space<hbm>>)
      tpu.yield
    }) : () -> ()
    return
  }
}

module attributes {stable_mosaic.version = 14 : i64} {
  func.func @_edge_body(%arg0: i32, %arg1: memref<4000x4xf32, #tpu.memory_space<vmem>>, %arg2: memref<4000x12xf32, #tpu.memory_space<vmem>>, %arg3: memref<4x32xf32, #tpu.memory_space<vmem>>, %arg4: memref<12x32xf32, #tpu.memory_space<vmem>>, %arg5: memref<12x32xf32, #tpu.memory_space<vmem>>, %arg6: memref<1x32xf32, #tpu.memory_space<vmem>>, %arg7: memref<32x16xf32, #tpu.memory_space<vmem>>, %arg8: memref<4000x16xf32, #tpu.memory_space<vmem>>) attributes {dimension_semantics = [#tpu.dimension_semantics<arbitrary>], iteration_bounds = array<i64: 40>, scalar_prefetch = 0 : i64, scratch_operands = 0 : i64, tpu.core_type = #tpu.core_type<tc>, window_params = [{transform_indices = @transform_0, window_bounds = array<i64: 4000, 4>}, {transform_indices = @transform_1, window_bounds = array<i64: 4000, 12>}, {pipeline_mode = #tpu.pipeline_mode<synchronous>, transform_indices = @transform_2, window_bounds = array<i64: 4, 32>}, {pipeline_mode = #tpu.pipeline_mode<synchronous>, transform_indices = @transform_3, window_bounds = array<i64: 12, 32>}, {pipeline_mode = #tpu.pipeline_mode<synchronous>, transform_indices = @transform_4, window_bounds = array<i64: 12, 32>}, {pipeline_mode = #tpu.pipeline_mode<synchronous>, transform_indices = @transform_5, window_bounds = array<i64: 1, 32>}, {pipeline_mode = #tpu.pipeline_mode<synchronous>, transform_indices = @transform_6, window_bounds = array<i64: 32, 16>}, {transform_indices = @transform_7, window_bounds = array<i64: 4000, 16>}]} {
    %get3A = arith.constant 0 : index
    %get3A_0 = arith.constant 0 : index
    %get3A_1 = vector.load %arg1[%get3A, %get3A_0] : memref<4000x4xf32, #tpu.memory_space<vmem>>, vector<4000x4xf32>
    %get3A_2 = arith.constant 0 : index
    %get3A_3 = arith.constant 0 : index
    %get3A_4 = vector.load %arg3[%get3A_2, %get3A_3] : memref<4x32xf32, #tpu.memory_space<vmem>>, vector<4x32xf32>
    %dot_general3A = arith.constant dense<0.000000e+00> : vector<4000x32xf32>
    %dot_general3A_5 = tpu.matmul %get3A_1, %get3A_4, %dot_general3A {dimension_numbers = #tpu.dot_dimension_numbers<[1], [0], [0], [1], [0, 0, 1, 1], [], []>, transpose_lhs_hint = false} : vector<4000x4xf32>, vector<4x32xf32>, vector<4000x32xf32> -> vector<4000x32xf32>
    %get3A_6 = arith.constant 0 : index
    %get3A_7 = arith.constant 0 : index
    %get3A_8 = vector.load %arg2[%get3A_6, %get3A_7] : memref<4000x12xf32, #tpu.memory_space<vmem>>, vector<4000x12xf32>
    %get3A_9 = arith.constant 0 : index
    %get3A_10 = arith.constant 0 : index
    %get3A_11 = vector.load %arg4[%get3A_9, %get3A_10] : memref<12x32xf32, #tpu.memory_space<vmem>>, vector<12x32xf32>
    %dot_general3A_12 = arith.constant dense<0.000000e+00> : vector<4000x32xf32>
    %dot_general3A_13 = tpu.matmul %get3A_8, %get3A_11, %dot_general3A_12 {dimension_numbers = #tpu.dot_dimension_numbers<[1], [0], [0], [1], [0, 0, 1, 1], [], []>, transpose_lhs_hint = false} : vector<4000x12xf32>, vector<12x32xf32>, vector<4000x32xf32> -> vector<4000x32xf32>
    %add3A = arith.addf %dot_general3A_5, %dot_general3A_13 : vector<4000x32xf32>
    %get3A_14 = arith.constant 0 : index
    %get3A_15 = arith.constant 0 : index
    %get3A_16 = vector.load %arg2[%get3A_14, %get3A_15] : memref<4000x12xf32, #tpu.memory_space<vmem>>, vector<4000x12xf32>
    %get3A_17 = arith.constant 0 : index
    %get3A_18 = arith.constant 0 : index
    %get3A_19 = vector.load %arg5[%get3A_17, %get3A_18] : memref<12x32xf32, #tpu.memory_space<vmem>>, vector<12x32xf32>
    %dot_general3A_20 = arith.constant dense<0.000000e+00> : vector<4000x32xf32>
    %dot_general3A_21 = tpu.matmul %get3A_16, %get3A_19, %dot_general3A_20 {dimension_numbers = #tpu.dot_dimension_numbers<[1], [0], [0], [1], [0, 0, 1, 1], [], []>, transpose_lhs_hint = false} : vector<4000x12xf32>, vector<12x32xf32>, vector<4000x32xf32> -> vector<4000x32xf32>
    %get3A_22 = arith.constant 0 : index
    %get3A_23 = arith.constant 0 : index
    %get3A_24 = vector.load %arg6[%get3A_22, %get3A_23] : memref<1x32xf32, #tpu.memory_space<vmem>>, vector<1x32xf32>
    %add3A_25 = vector.broadcast %get3A_24 : vector<1x32xf32> to vector<4000x32xf32>
    %add3A_26 = arith.addf %dot_general3A_21, %add3A_25 : vector<4000x32xf32>
    %mul3A = arith.mulf %add3A, %add3A_26 : vector<4000x32xf32>
    %convert_element_type3A = arith.truncf %mul3A : vector<4000x32xf32> to vector<4000x32xbf16>
    %convert_element_type3A_27 = arith.extf %convert_element_type3A : vector<4000x32xbf16> to vector<4000x32xf32>
    %sub3A = arith.subf %mul3A, %convert_element_type3A_27 : vector<4000x32xf32>
    %get3A_28 = arith.constant 0 : index
    %get3A_29 = arith.constant 0 : index
    %get3A_30 = vector.load %arg7[%get3A_28, %get3A_29] : memref<32x16xf32, #tpu.memory_space<vmem>>, vector<32x16xf32>
    %dot_general3A_31 = arith.constant dense<0.000000e+00> : vector<4000x16xf32>
    %dot_general3A_32 = tpu.matmul %convert_element_type3A_27, %get3A_30, %dot_general3A_31 {dimension_numbers = #tpu.dot_dimension_numbers<[1], [0], [0], [1], [0, 0, 1, 1], [], []>, transpose_lhs_hint = false} : vector<4000x32xf32>, vector<32x16xf32>, vector<4000x16xf32> -> vector<4000x16xf32>
    %get3A_33 = arith.constant 0 : index
    %get3A_34 = arith.constant 0 : index
    %get3A_35 = vector.load %arg7[%get3A_33, %get3A_34] : memref<32x16xf32, #tpu.memory_space<vmem>>, vector<32x16xf32>
    %dot_general3A_36 = arith.constant dense<0.000000e+00> : vector<4000x16xf32>
    %dot_general3A_37 = tpu.matmul %sub3A, %get3A_35, %dot_general3A_36 {dimension_numbers = #tpu.dot_dimension_numbers<[1], [0], [0], [1], [0, 0, 1, 1], [], []>, transpose_lhs_hint = false} : vector<4000x32xf32>, vector<32x16xf32>, vector<4000x16xf32> -> vector<4000x16xf32>
    %add3A_38 = arith.addf %dot_general3A_32, %dot_general3A_37 : vector<4000x16xf32>
    %swap3A = arith.constant 0 : index
    %swap3A_39 = arith.constant 0 : index
    %swap3A_40 = vector.load %arg8[%swap3A, %swap3A_39] : memref<4000x16xf32, #tpu.memory_space<vmem>>, vector<4000x16xf32>
    tpu.vector_store %arg8[%swap3A, %swap3A_39], %add3A_38 {strides = array<i32>} : memref<4000x16xf32, #tpu.memory_space<vmem>>, vector<4000x16xf32>,
    return
  }
  func.func @transform_0(%arg0: i32) -> (i32, i32) {
    %c0_i32 = arith.constant 0 : i32
    %c0_i32_0 = arith.constant 0 : i32
    return %arg0, %c0_i32 : i32, i32
  }
  func.func @transform_1(%arg0: i32) -> (i32, i32) {
    %c0_i32 = arith.constant 0 : i32
    %c0_i32_0 = arith.constant 0 : i32
    return %arg0, %c0_i32 : i32, i32
  }
  func.func @transform_2(%arg0: i32) -> (i32, i32) {
    %c0_i32 = arith.constant 0 : i32
    %c0_i32_0 = arith.constant 0 : i32
    %c0_i32_1 = arith.constant 0 : i32
    return %c0_i32, %c0_i32_0 : i32, i32
  }
  func.func @transform_3(%arg0: i32) -> (i32, i32) {
    %c0_i32 = arith.constant 0 : i32
    %c0_i32_0 = arith.constant 0 : i32
    %c0_i32_1 = arith.constant 0 : i32
    return %c0_i32, %c0_i32_0 : i32, i32
  }
  func.func @transform_4(%arg0: i32) -> (i32, i32) {
    %c0_i32 = arith.constant 0 : i32
    %c0_i32_0 = arith.constant 0 : i32
    %c0_i32_1 = arith.constant 0 : i32
    return %c0_i32, %c0_i32_0 : i32, i32
  }
  func.func @transform_5(%arg0: i32) -> (i32, i32) {
    %c0_i32 = arith.constant 0 : i32
    %c0_i32_0 = arith.constant 0 : i32
    %c0_i32_1 = arith.constant 0 : i32
    return %c0_i32, %c0_i32_0 : i32, i32
  }
  func.func @transform_6(%arg0: i32) -> (i32, i32) {
    %c0_i32 = arith.constant 0 : i32
    %c0_i32_0 = arith.constant 0 : i32
    %c0_i32_1 = arith.constant 0 : i32
    return %c0_i32, %c0_i32_0 : i32, i32
  }
  func.func @transform_7(%arg0: i32) -> (i32, i32) {
    %c0_i32 = arith.constant 0 : i32
    %c0_i32_0 = arith.constant 0 : i32
    return %arg0, %c0_i32 : i32, i32
  }
}

module attributes {stable_mosaic.version = 14 : i64} {
  func.func @_node_body(%arg0: i32, %arg1: memref<2x1000x16xf32, #tpu.memory_space<vmem>>, %arg2: memref<1000x128xf32, #tpu.memory_space<vmem>>, %arg3: memref<1000x1xf32, #tpu.memory_space<vmem>>, %arg4: memref<128x4x8xf32, #tpu.memory_space<vmem>>, %arg5: memref<145x128xf32, #tpu.memory_space<vmem>>, %arg6: memref<128xf32, #tpu.memory_space<vmem>>, %arg7: memref<128x128xf32, #tpu.memory_space<vmem>>, %arg8: memref<128xf32, #tpu.memory_space<vmem>>, %arg9: memref<128x130xf32, #tpu.memory_space<vmem>>, %arg10: memref<130xf32, #tpu.memory_space<vmem>>, %arg11: memref<1000x128xf32, #tpu.memory_space<vmem>>, %arg12: memref<1000x1xf32, #tpu.memory_space<vmem>>, %arg13: memref<1000x1xf32, #tpu.memory_space<vmem>>) attributes {dimension_semantics = [#tpu.dimension_semantics<arbitrary>], iteration_bounds = array<i64: 10>, scalar_prefetch = 0 : i64, scratch_operands = 0 : i64, tpu.core_type = #tpu.core_type<tc>, window_params = [{transform_indices = @transform_0, window_bounds = array<i64: 2, 1000, 16>}, {transform_indices = @transform_1, window_bounds = array<i64: 1000, 128>}, {transform_indices = @transform_2, window_bounds = array<i64: 1000, 1>}, {pipeline_mode = #tpu.pipeline_mode<synchronous>, transform_indices = @transform_3, window_bounds = array<i64: 128, 4, 8>}, {pipeline_mode = #tpu.pipeline_mode<synchronous>, transform_indices = @transform_4, window_bounds = array<i64: 145, 128>}, {pipeline_mode = #tpu.pipeline_mode<synchronous>, transform_indices = @transform_5, window_bounds = array<i64: 128>}, {pipeline_mode = #tpu.pipeline_mode<synchronous>, transform_indices = @transform_6, window_bounds = array<i64: 128, 128>}, {pipeline_mode = #tpu.pipeline_mode<synchronous>, transform_indices = @transform_7, window_bounds = array<i64: 128>}, {pipeline_mode = #tpu.pipeline_mode<synchronous>, transform_indices = @transform_8, window_bounds = array<i64: 128, 130>}, {pipeline_mode = #tpu.pipeline_mode<synchronous>, transform_indices = @transform_9, window_bounds = array<i64: 130>}, {transform_indices = @transform_10, window_bounds = array<i64: 1000, 128>}, {transform_indices = @transform_11, window_bounds = array<i64: 1000, 1>}, {transform_indices = @transform_12, window_bounds = array<i64: 1000, 1>}]} {
    %get3A = arith.constant 0 : index
    %get3A_0 = arith.constant 0 : index
    %get3A_1 = arith.constant 0 : index
    %get3A_2 = vector.load %arg1[%get3A, %get3A_0, %get3A_1] : memref<2x1000x16xf32, #tpu.memory_space<vmem>>, vector<1x1000x16xf32>
    %get3A_3 = vector.shape_cast %get3A_2 : vector<1x1000x16xf32> to vector<1000x16xf32>
    %get3A_4 = arith.constant 1 : index
    %get3A_5 = arith.constant 0 : index
    %get3A_6 = arith.constant 0 : index
    %get3A_7 = vector.load %arg1[%get3A_4, %get3A_5, %get3A_6] : memref<2x1000x16xf32, #tpu.memory_space<vmem>>, vector<1x1000x16xf32>
    %get3A_8 = vector.shape_cast %get3A_7 : vector<1x1000x16xf32> to vector<1000x16xf32>
    %add3A = arith.addf %get3A_3, %get3A_8 : vector<1000x16xf32>
    %slice3A = vector.extract_strided_slice %add3A {offsets = [0, 10], sizes = [1000, 1], strides = [1, 1]} : vector<1000x16xf32> to vector<1000x1xf32>
    %get3A_9 = arith.constant 0 : index
    %get3A_10 = arith.constant 0 : index
    %get3A_11 = vector.load %arg2[%get3A_9, %get3A_10] : memref<1000x128xf32, #tpu.memory_space<vmem>>, vector<1000x128xf32>
    %get3A_12 = arith.constant 0 : index
    %get3A_13 = arith.constant 0 : index
    %get3A_14 = vector.load %arg5[%get3A_12, %get3A_13] : memref<145x128xf32, #tpu.memory_space<vmem>>, vector<145x128xf32>
    %get3A_15 = arith.constant 0 : index
    %get3A_16 = arith.constant 0 : index
    %get3A_17 = arith.constant 0 : index
    %get3A_18 = vector.load %arg4[%get3A_15, %get3A_16, %get3A_17] : memref<128x4x8xf32, #tpu.memory_space<vmem>>, vector<128x4x8xf32>
    %reshape3A = vector.shape_cast %get3A_18 : vector<128x4x8xf32> to vector<128x32xf32>
    %dot_general3A = arith.constant dense<0.000000e+00> : vector<1000x32xf32>
    %dot_general3A_19 = tpu.matmul %get3A_11, %reshape3A, %dot_general3A {dimension_numbers = #tpu.dot_dimension_numbers<[1], [0], [0], [1], [0, 0, 1, 1], [], []>, transpose_lhs_hint = false} : vector<1000x128xf32>, vector<128x32xf32>, vector<1000x32xf32> -> vector<1000x32xf32>
    %convert_element_type3A = arith.truncf %dot_general3A_19 : vector<1000x32xf32> to vector<1000x32xbf16>
    %convert_element_type3A_20 = arith.extf %convert_element_type3A : vector<1000x32xbf16> to vector<1000x32xf32>
    %slice3A_21 = vector.extract_strided_slice %add3A {offsets = [0, 0], sizes = [1000, 1], strides = [1, 1]} : vector<1000x16xf32> to vector<1000x1xf32>
    %slice3A_22 = vector.extract_strided_slice %convert_element_type3A_20 {offsets = [0, 0], sizes = [1000, 8], strides = [1, 1]} : vector<1000x32xf32> to vector<1000x8xf32>
    %slice3A_23 = vector.extract_strided_slice %convert_element_type3A_20 {offsets = [0, 0], sizes = [1000, 8], strides = [1, 1]} : vector<1000x32xf32> to vector<1000x8xf32>
    %mul3A = arith.mulf %slice3A_22, %slice3A_23 : vector<1000x8xf32>
    %mul3A_24 = vector.broadcast %slice3A_21 : vector<1000x1xf32> to vector<1000x8xf32>
    %mul3A_25 = arith.mulf %mul3A_24, %mul3A : vector<1000x8xf32>
    %slice3A_26 = vector.extract_strided_slice %add3A {offsets = [0, 1], sizes = [1000, 1], strides = [1, 1]} : vector<1000x16xf32> to vector<1000x1xf32>
    %slice3A_27 = vector.extract_strided_slice %convert_element_type3A_20 {offsets = [0, 8], sizes = [1000, 8], strides = [1, 1]} : vector<1000x32xf32> to vector<1000x8xf32>
    %slice3A_28 = vector.extract_strided_slice %convert_element_type3A_20 {offsets = [0, 8], sizes = [1000, 8], strides = [1, 1]} : vector<1000x32xf32> to vector<1000x8xf32>
    %mul3A_29 = arith.mulf %slice3A_27, %slice3A_28 : vector<1000x8xf32>
    %mul3A_30 = vector.broadcast %slice3A_26 : vector<1000x1xf32> to vector<1000x8xf32>
    %mul3A_31 = arith.mulf %mul3A_30, %mul3A_29 : vector<1000x8xf32>
    %add3A_32 = arith.addf %mul3A_25, %mul3A_31 : vector<1000x8xf32>
    %slice3A_33 = vector.extract_strided_slice %add3A {offsets = [0, 2], sizes = [1000, 1], strides = [1, 1]} : vector<1000x16xf32> to vector<1000x1xf32>
    %slice3A_34 = vector.extract_strided_slice %convert_element_type3A_20 {offsets = [0, 16], sizes = [1000, 8], strides = [1, 1]} : vector<1000x32xf32> to vector<1000x8xf32>
    %slice3A_35 = vector.extract_strided_slice %convert_element_type3A_20 {offsets = [0, 16], sizes = [1000, 8], strides = [1, 1]} : vector<1000x32xf32> to vector<1000x8xf32>
    %mul3A_36 = arith.mulf %slice3A_34, %slice3A_35 : vector<1000x8xf32>
    %mul3A_37 = vector.broadcast %slice3A_33 : vector<1000x1xf32> to vector<1000x8xf32>
    %mul3A_38 = arith.mulf %mul3A_37, %mul3A_36 : vector<1000x8xf32>
    %add3A_39 = arith.addf %add3A_32, %mul3A_38 : vector<1000x8xf32>
    %slice3A_40 = vector.extract_strided_slice %add3A {offsets = [0, 3], sizes = [1000, 1], strides = [1, 1]} : vector<1000x16xf32> to vector<1000x1xf32>
    %slice3A_41 = vector.extract_strided_slice %convert_element_type3A_20 {offsets = [0, 24], sizes = [1000, 8], strides = [1, 1]} : vector<1000x32xf32> to vector<1000x8xf32>
    %slice3A_42 = vector.extract_strided_slice %convert_element_type3A_20 {offsets = [0, 24], sizes = [1000, 8], strides = [1, 1]} : vector<1000x32xf32> to vector<1000x8xf32>
    %mul3A_43 = arith.mulf %slice3A_41, %slice3A_42 : vector<1000x8xf32>
    %mul3A_44 = vector.broadcast %slice3A_40 : vector<1000x1xf32> to vector<1000x8xf32>
    %mul3A_45 = arith.mulf %mul3A_44, %mul3A_43 : vector<1000x8xf32>
    %add3A_46 = arith.addf %add3A_39, %mul3A_45 : vector<1000x8xf32>
    %slice3A_47 = vector.extract_strided_slice %add3A {offsets = [0, 4], sizes = [1000, 1], strides = [1, 1]} : vector<1000x16xf32> to vector<1000x1xf32>
    %slice3A_48 = vector.extract_strided_slice %convert_element_type3A_20 {offsets = [0, 0], sizes = [1000, 8], strides = [1, 1]} : vector<1000x32xf32> to vector<1000x8xf32>
    %slice3A_49 = vector.extract_strided_slice %convert_element_type3A_20 {offsets = [0, 8], sizes = [1000, 8], strides = [1, 1]} : vector<1000x32xf32> to vector<1000x8xf32>
    %mul3A_50 = arith.mulf %slice3A_48, %slice3A_49 : vector<1000x8xf32>
    %mul3A_51 = vector.broadcast %slice3A_47 : vector<1000x1xf32> to vector<1000x8xf32>
    %mul3A_52 = arith.mulf %mul3A_51, %mul3A_50 : vector<1000x8xf32>
    %mul3A_53 = arith.constant 2.000000e+00 : f32
    %mul3A_54 = vector.broadcast %mul3A_53 : f32 to vector<1000x8xf32>
    %mul3A_55 = arith.mulf %mul3A_52, %mul3A_54 : vector<1000x8xf32>
    %add3A_56 = arith.addf %add3A_46, %mul3A_55 : vector<1000x8xf32>
    %slice3A_57 = vector.extract_strided_slice %add3A {offsets = [0, 5], sizes = [1000, 1], strides = [1, 1]} : vector<1000x16xf32> to vector<1000x1xf32>
    %slice3A_58 = vector.extract_strided_slice %convert_element_type3A_20 {offsets = [0, 0], sizes = [1000, 8], strides = [1, 1]} : vector<1000x32xf32> to vector<1000x8xf32>
    %slice3A_59 = vector.extract_strided_slice %convert_element_type3A_20 {offsets = [0, 16], sizes = [1000, 8], strides = [1, 1]} : vector<1000x32xf32> to vector<1000x8xf32>
    %mul3A_60 = arith.mulf %slice3A_58, %slice3A_59 : vector<1000x8xf32>
    %mul3A_61 = vector.broadcast %slice3A_57 : vector<1000x1xf32> to vector<1000x8xf32>
    %mul3A_62 = arith.mulf %mul3A_61, %mul3A_60 : vector<1000x8xf32>
    %mul3A_63 = arith.constant 2.000000e+00 : f32
    %mul3A_64 = vector.broadcast %mul3A_63 : f32 to vector<1000x8xf32>
    %mul3A_65 = arith.mulf %mul3A_62, %mul3A_64 : vector<1000x8xf32>
    %add3A_66 = arith.addf %add3A_56, %mul3A_65 : vector<1000x8xf32>
    %slice3A_67 = vector.extract_strided_slice %add3A {offsets = [0, 6], sizes = [1000, 1], strides = [1, 1]} : vector<1000x16xf32> to vector<1000x1xf32>
    %slice3A_68 = vector.extract_strided_slice %convert_element_type3A_20 {offsets = [0, 0], sizes = [1000, 8], strides = [1, 1]} : vector<1000x32xf32> to vector<1000x8xf32>
    %slice3A_69 = vector.extract_strided_slice %convert_element_type3A_20 {offsets = [0, 24], sizes = [1000, 8], strides = [1, 1]} : vector<1000x32xf32> to vector<1000x8xf32>
    %mul3A_70 = arith.mulf %slice3A_68, %slice3A_69 : vector<1000x8xf32>
    %mul3A_71 = vector.broadcast %slice3A_67 : vector<1000x1xf32> to vector<1000x8xf32>
    %mul3A_72 = arith.mulf %mul3A_71, %mul3A_70 : vector<1000x8xf32>
    %mul3A_73 = arith.constant 2.000000e+00 : f32
    %mul3A_74 = vector.broadcast %mul3A_73 : f32 to vector<1000x8xf32>
    %mul3A_75 = arith.mulf %mul3A_72, %mul3A_74 : vector<1000x8xf32>
    %add3A_76 = arith.addf %add3A_66, %mul3A_75 : vector<1000x8xf32>
    %slice3A_77 = vector.extract_strided_slice %add3A {offsets = [0, 7], sizes = [1000, 1], strides = [1, 1]} : vector<1000x16xf32> to vector<1000x1xf32>
    %slice3A_78 = vector.extract_strided_slice %convert_element_type3A_20 {offsets = [0, 8], sizes = [1000, 8], strides = [1, 1]} : vector<1000x32xf32> to vector<1000x8xf32>
    %slice3A_79 = vector.extract_strided_slice %convert_element_type3A_20 {offsets = [0, 16], sizes = [1000, 8], strides = [1, 1]} : vector<1000x32xf32> to vector<1000x8xf32>
    %mul3A_80 = arith.mulf %slice3A_78, %slice3A_79 : vector<1000x8xf32>
    %mul3A_81 = vector.broadcast %slice3A_77 : vector<1000x1xf32> to vector<1000x8xf32>
    %mul3A_82 = arith.mulf %mul3A_81, %mul3A_80 : vector<1000x8xf32>
    %mul3A_83 = arith.constant 2.000000e+00 : f32
    %mul3A_84 = vector.broadcast %mul3A_83 : f32 to vector<1000x8xf32>
    %mul3A_85 = arith.mulf %mul3A_82, %mul3A_84 : vector<1000x8xf32>
    %add3A_86 = arith.addf %add3A_76, %mul3A_85 : vector<1000x8xf32>
    %slice3A_87 = vector.extract_strided_slice %add3A {offsets = [0, 8], sizes = [1000, 1], strides = [1, 1]} : vector<1000x16xf32> to vector<1000x1xf32>
    %slice3A_88 = vector.extract_strided_slice %convert_element_type3A_20 {offsets = [0, 8], sizes = [1000, 8], strides = [1, 1]} : vector<1000x32xf32> to vector<1000x8xf32>
    %slice3A_89 = vector.extract_strided_slice %convert_element_type3A_20 {offsets = [0, 24], sizes = [1000, 8], strides = [1, 1]} : vector<1000x32xf32> to vector<1000x8xf32>
    %mul3A_90 = arith.mulf %slice3A_88, %slice3A_89 : vector<1000x8xf32>
    %mul3A_91 = vector.broadcast %slice3A_87 : vector<1000x1xf32> to vector<1000x8xf32>
    %mul3A_92 = arith.mulf %mul3A_91, %mul3A_90 : vector<1000x8xf32>
    %mul3A_93 = arith.constant 2.000000e+00 : f32
    %mul3A_94 = vector.broadcast %mul3A_93 : f32 to vector<1000x8xf32>
    %mul3A_95 = arith.mulf %mul3A_92, %mul3A_94 : vector<1000x8xf32>
    %add3A_96 = arith.addf %add3A_86, %mul3A_95 : vector<1000x8xf32>
    %slice3A_97 = vector.extract_strided_slice %add3A {offsets = [0, 9], sizes = [1000, 1], strides = [1, 1]} : vector<1000x16xf32> to vector<1000x1xf32>
    %slice3A_98 = vector.extract_strided_slice %convert_element_type3A_20 {offsets = [0, 16], sizes = [1000, 8], strides = [1, 1]} : vector<1000x32xf32> to vector<1000x8xf32>
    %slice3A_99 = vector.extract_strided_slice %convert_element_type3A_20 {offsets = [0, 24], sizes = [1000, 8], strides = [1, 1]} : vector<1000x32xf32> to vector<1000x8xf32>
    %mul3A_100 = arith.mulf %slice3A_98, %slice3A_99 : vector<1000x8xf32>
    %mul3A_101 = vector.broadcast %slice3A_97 : vector<1000x1xf32> to vector<1000x8xf32>
    %mul3A_102 = arith.mulf %mul3A_101, %mul3A_100 : vector<1000x8xf32>
    %mul3A_103 = arith.constant 2.000000e+00 : f32
    %mul3A_104 = vector.broadcast %mul3A_103 : f32 to vector<1000x8xf32>
    %mul3A_105 = arith.mulf %mul3A_102, %mul3A_104 : vector<1000x8xf32>
    %add3A_106 = arith.addf %add3A_96, %mul3A_105 : vector<1000x8xf32>
    %mul3A_107 = vector.broadcast %slice3A : vector<1000x1xf32> to vector<1000x128xf32>
    %mul3A_108 = arith.mulf %mul3A_107, %get3A_11 : vector<1000x128xf32>
    %slice3A_109 = vector.extract_strided_slice %get3A_14 {offsets = [0, 0], sizes = [128, 128], strides = [1, 1]} : vector<145x128xf32> to vector<128x128xf32>
    %dot_general3A_110 = arith.constant dense<0.000000e+00> : vector<1000x128xf32>
    %dot_general3A_111 = tpu.matmul %mul3A_108, %slice3A_109, %dot_general3A_110 {dimension_numbers = #tpu.dot_dimension_numbers<[1], [0], [0], [1], [0, 0, 1, 1], [], []>, transpose_lhs_hint = false} : vector<1000x128xf32>, vector<128x128xf32>, vector<1000x128xf32> -> vector<1000x128xf32>
    %slice3A_112 = vector.extract_strided_slice %get3A_14 {offsets = [128, 0], sizes = [8, 128], strides = [1, 1]} : vector<145x128xf32> to vector<8x128xf32>
    %dot_general3A_113 = arith.constant dense<0.000000e+00> : vector<1000x128xf32>
    %dot_general3A_114 = tpu.matmul %add3A_106, %slice3A_112, %dot_general3A_113 {dimension_numbers = #tpu.dot_dimension_numbers<[1], [0], [0], [1], [0, 0, 1, 1], [], []>, transpose_lhs_hint = false} : vector<1000x8xf32>, vector<8x128xf32>, vector<1000x128xf32> -> vector<1000x128xf32>
    %add3A_115 = arith.addf %dot_general3A_111, %dot_general3A_114 : vector<1000x128xf32>
    %get3A_116 = arith.constant 0 : index
    %get3A_117 = arith.constant 0 : index
    %get3A_118 = vector.load %arg3[%get3A_116, %get3A_117] : memref<1000x1xf32, #tpu.memory_space<vmem>>, vector<1000x1xf32>
    %mul3A_119 = arith.mulf %slice3A, %get3A_118 : vector<1000x1xf32>
    %slice3A_120 = vector.extract_strided_slice %get3A_14 {offsets = [136, 0], sizes = [1, 128], strides = [1, 1]} : vector<145x128xf32> to vector<1x128xf32>
    %mul3A_121 = vector.broadcast %mul3A_119 : vector<1000x1xf32> to vector<1000x128xf32>
    %mul3A_122 = vector.broadcast %slice3A_120 : vector<1x128xf32> to vector<1000x128xf32>
    %mul3A_123 = arith.mulf %mul3A_121, %mul3A_122 : vector<1000x128xf32>
    %add3A_124 = arith.addf %add3A_115, %mul3A_123 : vector<1000x128xf32>
    %get3A_125 = arith.constant 0 : index
    %get3A_126 = vector.load %arg6[%get3A_125] : memref<128xf32, #tpu.memory_space<vmem>>, vector<128xf32>
    %reshape3A_127 = vector.shape_cast %get3A_126 : vector<128xf32> to vector<1x128xf32>
    %add3A_128 = vector.broadcast %reshape3A_127 : vector<1x128xf32> to vector<1000x128xf32>
    %add3A_129 = arith.addf %add3A_124, %add3A_128 : vector<1000x128xf32>
    %integer_pow3A = arith.mulf %add3A_129, %add3A_129 : vector<1000x128xf32>
    %integer_pow3A_130 = arith.mulf %add3A_129, %integer_pow3A : vector<1000x128xf32>
    %mul3A_131 = arith.constant 4.471500e-02 : f32
    %mul3A_132 = vector.broadcast %mul3A_131 : f32 to vector<1000x128xf32>
    %mul3A_133 = arith.mulf %mul3A_132, %integer_pow3A_130 : vector<1000x128xf32>
    %add3A_134 = arith.addf %add3A_129, %mul3A_133 : vector<1000x128xf32>
    %mul3A_135 = arith.constant 0.797884583 : f32
    %mul3A_136 = vector.broadcast %mul3A_135 : f32 to vector<1000x128xf32>
    %mul3A_137 = arith.mulf %mul3A_136, %add3A_134 : vector<1000x128xf32>
    %tanh3A = math.tanh %mul3A_137 : vector<1000x128xf32>
    %add3A_138 = arith.constant 1.000000e+00 : f32
    %add3A_139 = vector.broadcast %add3A_138 : f32 to vector<1000x128xf32>
    %add3A_140 = arith.addf %add3A_139, %tanh3A : vector<1000x128xf32>
    %mul3A_141 = arith.constant 5.000000e-01 : f32
    %mul3A_142 = vector.broadcast %mul3A_141 : f32 to vector<1000x128xf32>
    %mul3A_143 = arith.mulf %mul3A_142, %add3A_140 : vector<1000x128xf32>
    %mul3A_144 = arith.mulf %add3A_129, %mul3A_143 : vector<1000x128xf32>
    %get3A_145 = arith.constant 0 : index
    %get3A_146 = arith.constant 0 : index
    %get3A_147 = vector.load %arg7[%get3A_145, %get3A_146] : memref<128x128xf32, #tpu.memory_space<vmem>>, vector<128x128xf32>
    %dot_general3A_148 = arith.constant dense<0.000000e+00> : vector<1000x128xf32>
    %dot_general3A_149 = tpu.matmul %mul3A_144, %get3A_147, %dot_general3A_148 {dimension_numbers = #tpu.dot_dimension_numbers<[1], [0], [0], [1], [0, 0, 1, 1], [], []>, transpose_lhs_hint = false} : vector<1000x128xf32>, vector<128x128xf32>, vector<1000x128xf32> -> vector<1000x128xf32>
    %get3A_150 = arith.constant 0 : index
    %get3A_151 = vector.load %arg8[%get3A_150] : memref<128xf32, #tpu.memory_space<vmem>>, vector<128xf32>
    %reshape3A_152 = vector.shape_cast %get3A_151 : vector<128xf32> to vector<1x128xf32>
    %add3A_153 = vector.broadcast %reshape3A_152 : vector<1x128xf32> to vector<1000x128xf32>
    %add3A_154 = arith.addf %dot_general3A_149, %add3A_153 : vector<1000x128xf32>
    %integer_pow3A_155 = arith.mulf %add3A_154, %add3A_154 : vector<1000x128xf32>
    %integer_pow3A_156 = arith.mulf %add3A_154, %integer_pow3A_155 : vector<1000x128xf32>
    %mul3A_157 = arith.constant 4.471500e-02 : f32
    %mul3A_158 = vector.broadcast %mul3A_157 : f32 to vector<1000x128xf32>
    %mul3A_159 = arith.mulf %mul3A_158, %integer_pow3A_156 : vector<1000x128xf32>
    %add3A_160 = arith.addf %add3A_154, %mul3A_159 : vector<1000x128xf32>
    %mul3A_161 = arith.constant 0.797884583 : f32
    %mul3A_162 = vector.broadcast %mul3A_161 : f32 to vector<1000x128xf32>
    %mul3A_163 = arith.mulf %mul3A_162, %add3A_160 : vector<1000x128xf32>
    %tanh3A_164 = math.tanh %mul3A_163 : vector<1000x128xf32>
    %add3A_165 = arith.constant 1.000000e+00 : f32
    %add3A_166 = vector.broadcast %add3A_165 : f32 to vector<1000x128xf32>
    %add3A_167 = arith.addf %add3A_166, %tanh3A_164 : vector<1000x128xf32>
    %mul3A_168 = arith.constant 5.000000e-01 : f32
    %mul3A_169 = vector.broadcast %mul3A_168 : f32 to vector<1000x128xf32>
    %mul3A_170 = arith.mulf %mul3A_169, %add3A_167 : vector<1000x128xf32>
    %mul3A_171 = arith.mulf %add3A_154, %mul3A_170 : vector<1000x128xf32>
    %get3A_172 = arith.constant 0 : index
    %get3A_173 = arith.constant 0 : index
    %get3A_174 = vector.load %arg9[%get3A_172, %get3A_173] : memref<128x130xf32, #tpu.memory_space<vmem>>, vector<128x130xf32>
    %dot_general3A_175 = arith.constant dense<0.000000e+00> : vector<1000x130xf32>
    %dot_general3A_176 = tpu.matmul %mul3A_171, %get3A_174, %dot_general3A_175 {dimension_numbers = #tpu.dot_dimension_numbers<[1], [0], [0], [1], [0, 0, 1, 1], [], []>, transpose_lhs_hint = false} : vector<1000x128xf32>, vector<128x130xf32>, vector<1000x130xf32> -> vector<1000x130xf32>
    %get3A_177 = arith.constant 0 : index
    %get3A_178 = vector.load %arg10[%get3A_177] : memref<130xf32, #tpu.memory_space<vmem>>, vector<130xf32>
    %reshape3A_179 = vector.shape_cast %get3A_178 : vector<130xf32> to vector<1x130xf32>
    %add3A_180 = vector.broadcast %reshape3A_179 : vector<1x130xf32> to vector<1000x130xf32>
    %add3A_181 = arith.addf %dot_general3A_176, %add3A_180 : vector<1000x130xf32>
    %slice3A_182 = vector.extract_strided_slice %add3A_181 {offsets = [0, 2], sizes = [1000, 128], strides = [1, 1]} : vector<1000x130xf32> to vector<1000x128xf32>
    %swap3A = arith.constant 0 : index
    %swap3A_183 = arith.constant 0 : index
    %swap3A_184 = vector.load %arg11[%swap3A, %swap3A_183] : memref<1000x128xf32, #tpu.memory_space<vmem>>, vector<1000x128xf32>
    tpu.vector_store %arg11[%swap3A, %swap3A_183], %slice3A_182 {strides = array<i32>} : memref<1000x128xf32, #tpu.memory_space<vmem>>, vector<1000x128xf32>,
    %slice3A_185 = vector.extract_strided_slice %add3A_181 {offsets = [0, 0], sizes = [1000, 1], strides = [1, 1]} : vector<1000x130xf32> to vector<1000x1xf32>
    %swap3A_186 = arith.constant 0 : index
    %swap3A_187 = arith.constant 0 : index
    %swap3A_188 = vector.load %arg12[%swap3A_186, %swap3A_187] : memref<1000x1xf32, #tpu.memory_space<vmem>>, vector<1000x1xf32>
    tpu.vector_store %arg12[%swap3A_186, %swap3A_187], %slice3A_185 {strides = array<i32>} : memref<1000x1xf32, #tpu.memory_space<vmem>>, vector<1000x1xf32>,
    %slice3A_189 = vector.extract_strided_slice %add3A_181 {offsets = [0, 1], sizes = [1000, 1], strides = [1, 1]} : vector<1000x130xf32> to vector<1000x1xf32>
    %swap3A_190 = arith.constant 0 : index
    %swap3A_191 = arith.constant 0 : index
    %swap3A_192 = vector.load %arg13[%swap3A_190, %swap3A_191] : memref<1000x1xf32, #tpu.memory_space<vmem>>, vector<1000x1xf32>
    tpu.vector_store %arg13[%swap3A_190, %swap3A_191], %slice3A_189 {strides = array<i32>} : memref<1000x1xf32, #tpu.memory_space<vmem>>, vector<1000x1xf32>,
    return
  }
  func.func @transform_0(%arg0: i32) -> (i32, i32, i32) {
    %c0_i32 = arith.constant 0 : i32
    %c0_i32_0 = arith.constant 0 : i32
    %c0_i32_1 = arith.constant 0 : i32
    return %c0_i32, %arg0, %c0_i32_0 : i32, i32, i32
  }
  func.func @transform_1(%arg0: i32) -> (i32, i32) {
    %c0_i32 = arith.constant 0 : i32
    %c0_i32_0 = arith.constant 0 : i32
    return %arg0, %c0_i32 : i32, i32
  }
  func.func @transform_2(%arg0: i32) -> (i32, i32) {
    %c0_i32 = arith.constant 0 : i32
    %c0_i32_0 = arith.constant 0 : i32
    return %arg0, %c0_i32 : i32, i32
  }
  func.func @transform_3(%arg0: i32) -> (i32, i32, i32) {
    %c0_i32 = arith.constant 0 : i32
    %c0_i32_0 = arith.constant 0 : i32
    %c0_i32_1 = arith.constant 0 : i32
    %c0_i32_2 = arith.constant 0 : i32
    return %c0_i32, %c0_i32_0, %c0_i32_1 : i32, i32, i32
  }
  func.func @transform_4(%arg0: i32) -> (i32, i32) {
    %c0_i32 = arith.constant 0 : i32
    %c0_i32_0 = arith.constant 0 : i32
    %c0_i32_1 = arith.constant 0 : i32
    return %c0_i32, %c0_i32_0 : i32, i32
  }
  func.func @transform_5(%arg0: i32) -> i32 {
    %c0_i32 = arith.constant 0 : i32
    %c0_i32_0 = arith.constant 0 : i32
    return %c0_i32 : i32
  }
  func.func @transform_6(%arg0: i32) -> (i32, i32) {
    %c0_i32 = arith.constant 0 : i32
    %c0_i32_0 = arith.constant 0 : i32
    %c0_i32_1 = arith.constant 0 : i32
    return %c0_i32, %c0_i32_0 : i32, i32
  }
  func.func @transform_7(%arg0: i32) -> i32 {
    %c0_i32 = arith.constant 0 : i32
    %c0_i32_0 = arith.constant 0 : i32
    return %c0_i32 : i32
  }
  func.func @transform_8(%arg0: i32) -> (i32, i32) {
    %c0_i32 = arith.constant 0 : i32
    %c0_i32_0 = arith.constant 0 : i32
    %c0_i32_1 = arith.constant 0 : i32
    return %c0_i32, %c0_i32_0 : i32, i32
  }
  func.func @transform_9(%arg0: i32) -> i32 {
    %c0_i32 = arith.constant 0 : i32
    %c0_i32_0 = arith.constant 0 : i32
    return %c0_i32 : i32
  }
  func.func @transform_10(%arg0: i32) -> (i32, i32) {
    %c0_i32 = arith.constant 0 : i32
    %c0_i32_0 = arith.constant 0 : i32
    return %arg0, %c0_i32 : i32, i32
  }
  func.func @transform_11(%arg0: i32) -> (i32, i32) {
    %c0_i32 = arith.constant 0 : i32
    %c0_i32_0 = arith.constant 0 : i32
    return %arg0, %c0_i32 : i32, i32
  }
  func.func @transform_12(%arg0: i32) -> (i32, i32) {
    %c0_i32 = arith.constant 0 : i32
    %c0_i32_0 = arith.constant 0 : i32
    return %arg0, %c0_i32 : i32, i32
  }
}

</mosaic_0001>

<sc_bundles>
// kernel: kernel.5.cloned.1.call-start
scs
__scs_entry_jumppad:
0x0: {  	(pc) =	sbr.rel $0x88, $3  }
0x1: {  	(tag) =	ssettag $0x0;
	lr =	simm.s32 $0x1  }
0x2: {  	[smem:$0x3F95] =	sst lr;
	_ =	strace $0xD0000000  }
0x3: {  	_ = 	snop  }
0x4: {  	_ = 	snop  }
0x5: {  	_ = 	snop  }
0x6: {  	_ = 	snop  }
0x7: {  	_ = 	snop  }
__scs_overlays_trampoline_lowered:
0x8: {  	[smem:$0x3FA4] =	sst s0  }
0x9: {  	[smem:$0x3FA5] =	sst s1  }
0xa: {  	[smem:$0x3FA6] =	sst s2  }
0xb: {  	[smem:$0x3FA7] =	sst s3  }
0xc: {  	[smem:$0x3FA8] =	sst s4  }
0xd: {  	[smem:$0x3FA9] =	sst s5  }
0xe: {  	[smem:$0x3FAA] =	sst s6  }
0xf: {  	[smem:$0x3FAB] =	sst s7  }
0x10: {  	[smem:$0x3FAC] =	sst s8  }
0x11: {  	[smem:$0x3FAD] =	sst s9;
	s0 =	simm.s32 @!p0 $0x0  }
0x12: {  	s1 =	sld [smem:$0x3F93];
	s0 =	simm.s32 @p0 $0x1  }
0x13: {  	[smem:$0x3FAE] =	sst s0;
	s0 =	simm.s32 @!p1 $0x0  }
0x14: {  	s2 =	sld [smem:$0x3F92];
	s0 =	simm.s32 @p1 $0x1  }
0x15: {  	[smem:$0x3FAF] =	sst s0;
	s0 =	simm.s32 @!p2 $0x0  }
0x16: {  	s3 =	sld [smem:$0x3FDB];
	s0 =	simm.s32 @p2 $0x1  }
0x17: {  	s4 =	simm.s32 $0x1BF5;
	[smem:$0x3FB1] =	sst s0  }
0x18: {  	s0 =	sld [smem:$0x3F94];
	_ =	swait.ge [sflag:s4], $0x0  }
0x19: {  	s7 =	sld [smem:$0x3F95]  }
0x1a: {  	s8 =	sadd.s32 $0xFFFFE003, lr  }
0x1b: {  	s9 =	sadd.s32 $0xFFFFFEF7, lr;
	s5 =	simm.s32 $0xFFFFFFFF;
	p2 =	slt.u32 s8, $0xFFFFF086  }
0x1c: {  	p1 =	slt.u32 s9, $0xF7A;
	s5 =	simm.s32 @!p2 $0x0  }
0x1d: {  	s5 =	simm.s32 @p1 $0x1;
	p0 =	seq.s32 s7, s2  }
0x1e: {  	s7 =	smul.u32 @!p0 $0xF7A, s2;
	p2 =	seq.s32 @!p0 s5, $0x0  }
0x1f: {  	s9 =	smul.u32 $0xF7A, s1;
	s8 =	simm.s32 @!p0 $0x1BF5;
	p2 =	por !p2, p0  }
0x20: {  	[sflag:s8] =	ssyncset.s32 @!p0 $0xFFFFF086;
	s6 =	sadd.s32 @!p0 s3, s7;
	s7 =	simm.s32 @!p0 $0x108  }
0x21: {  	s3 =	sadd.s32 s3, s9;
	s6 =	sadd.s32 @!p0 $0x88, s6;
	s7 =	simm.s32 @p2 $0x1082  }
0x22: {  	[simem:s7], [sflag:s8] =	dma.local @!p0 [hbm:s6], $0xF7A  }
0x23: {  	s9 =	sor.u32 $0xD0000000, s2;
	s6 =	simm.s32 $0x108;
	_ =	swait.ge @!p0 [sflag:s8], $0x0  }
0x24: {  	s3 =	sadd.s32 $0x88, s3;
	s6 =	simm.s32 @!p1 $0x1082;
	[sflag:s4] =	ssyncset.s32 $0xFFFFF086  }
0x25: {  	[simem:s6], [sflag:s4] =	dma.local [hbm:s3], $0xF7A  }
0x26: {  	[smem:$0x3F95] =	sst s1;
	(tag) =	ssettag s2;
	_ =	strace s9  }
0x27: {  	s1 =	sld [smem:$0x3FA5]  }
0x28: {  	s2 =	sld [smem:$0x3FA6]  }
0x29: {  	s4 =	sld [smem:$0x3FA8]  }
0x2a: {  	p0 =	seq.s32 s5, $0x0;
	s5 =	sld [smem:$0x3FA9]  }
0x2b: {  	s6 =	sld [smem:$0x3FAA]  }
0x2c: {  	s7 =	sld [smem:$0x3FAB]  }
0x2d: {  	s3 =	simm.s32 $0x108;
	s8 =	sld [smem:$0x3FAC]  }
0x2e: {  	s3 =	simm.s32 @!p0 $0x1082;
	s9 =	sld [smem:$0x3FAD]  }
0x2f: {  	lr =	sadd.s32 s0, s3;
	s0 =	sld [smem:$0x3FA4]  }
0x30: {  	s3 =	sld [smem:$0x3FA7]  }
0x31: {  	[smem:$0x3FB0] =	sst s10  }
0x32: {  	s10 =	sld [smem:$0x3FAE];
	_ =	sdelay $0x3  }
0x33: {  	p0 =	seq.s32 s10, $0x1;
	s10 =	sld [smem:$0x3FB0];
	_ =	sdelay $0x3  }
0x34: {  	[smem:$0x3FB0] =	sst s10  }
0x35: {  	s10 =	sld [smem:$0x3FAF];
	_ =	sdelay $0x3  }
0x36: {  	p1 =	seq.s32 s10, $0x1;
	s10 =	sld [smem:$0x3FB0];
	_ =	sdelay $0x3  }
0x37: {  	[smem:$0x3FB0] =	sst s10  }
0x38: {  	s10 =	sld [smem:$0x3FB1]  }
0x39: {  	_ = 	snop;
	(pc) =	sbr.ind lr, $3  }
0x3a: {  	_ = 	snop  }
0x3b: {  	_ = 	snop  }
0x3c: {  	p2 =	seq.s32 s10, $0x1;
	s10 =	sld [smem:$0x3FB0]  }
0x3d: {  	_ =	shalt  }
0x3e: {  	_ =	shalt  }
0x3f: {  	_ =	shalt  }
0x40: {  	_ =	shalt  }
0x41: {  	_ =	shalt  }
0x42: {  	_ =	shalt  }
0x43: {  	_ =	shalt  }
0x44: {  	_ =	shalt  }
0x45: {  	_ =	shalt  }
0x46: {  	_ =	shalt  }
0x47: {  	_ =	shalt  }
0x48: {  	_ =	shalt  }
0x49: {  	_ =	shalt  }
0x4a: {  	_ =	shalt  }
0x4b: {  	_ =	shalt  }
0x4c: {  	_ =	shalt  }
0x4d: {  	_ =	shalt  }
0x4e: {  	_ =	shalt  }
0x4f: {  	_ =	shalt  }
0x50: {  	_ =	shalt  }
0x51: {  	_ =	shalt  }
0x52: {  	_ =	shalt  }
0x53: {  	_ =	shalt  }
0x54: {  	_ =	shalt  }
0x55: {  	_ =	shalt  }
0x56: {  	_ =	shalt  }
0x57: {  	_ =	shalt  }
0x58: {  	_ =	shalt  }
0x59: {  	_ =	shalt  }
0x5a: {  	_ =	shalt  }
0x5b: {  	_ =	shalt  }
0x5c: {  	_ =	shalt  }
0x5d: {  	_ =	shalt  }
0x5e: {  	_ =	shalt  }
0x5f: {  	_ =	shalt  }
0x60: {  	_ =	shalt  }
0x61: {  	_ =	shalt  }
0x62: {  	_ =	shalt  }
0x63: {  	_ =	shalt  }
0x64: {  	_ =	shalt  }
0x65: {  	_ =	shalt  }
0x66: {  	_ =	shalt  }
0x67: {  	_ =	shalt  }
0x68: {  	_ =	shalt  }
0x69: {  	_ =	shalt  }
0x6a: {  	_ =	shalt  }
0x6b: {  	_ =	shalt  }
0x6c: {  	_ =	shalt  }
0x6d: {  	_ =	shalt  }
0x6e: {  	_ =	shalt  }
0x6f: {  	_ =	shalt  }
0x70: {  	_ =	shalt  }
0x71: {  	_ =	shalt  }
0x72: {  	_ =	shalt  }
0x73: {  	_ =	shalt  }
0x74: {  	_ =	shalt  }
0x75: {  	_ =	shalt  }
0x76: {  	_ =	shalt  }
0x77: {  	_ =	shalt  }
0x78: {  	_ =	shalt  }
0x79: {  	_ =	shalt  }
0x7a: {  	_ =	shalt  }
0x7b: {  	_ =	shalt  }
0x7c: {  	_ =	shalt  }
0x7d: {  	_ =	shalt  }
0x7e: {  	_ =	shalt  }
0x7f: {  	_ =	shalt  }
0x80: {  	_ =	shalt  }
0x81: {  	_ =	shalt  }
0x82: {  	_ =	shalt  }
0x83: {  	_ =	shalt  }
0x84: {  	_ =	shalt  }
0x85: {  	_ =	shalt  }
0x86: {  	_ =	shalt  }
0x87: {  	_ =	shalt  }
.Lfunc_end0:
.L_simem_size_0:
called_computation_lowered:
.L_overlay_start_0:
0x88: {  	s2 =	sld [smem:$0x3FD9]  }
0x89: {  	s3 =	sld [smem:$0x3FFE];
	_ =	sdelay $0x1  }
0x8a: {  	s1 =	srdreg.scid  }
0x8b: {  	s0 =	sand.u32 $0x1, s1  }
0x8c: {  	s14 =	sshll.u32 s0, $0xA;
	s2 =	sadd.s32 s3, s2  }
0x8d: {  	s2 =	sadd.s32 s2, s14  }
0x8e: {  	[smem:$0x3FBC] =	sst s2  }
0x8f: {  	_ = 	snop  }
0x90: {  	s2 =	sld [smem:$0x3FD0];
	_ =	sdelay $0x2  }
0x91: {  	s15 =	simm.s32 $0xA;
	s4 =	simm.s32 $0x10  }
0x92: {  	[smem:s4], [sflag:s15] =	dma.local [hbm:s2], $0x1  }
0x93: {  	_ =	swait.eq [sflag:s15], $0x1  }
0x94: {  	[sflag:s15] =	ssyncset.done $0x0  }
0x95: {  	[sflag:s15] =	ssyncadd.s32 $0xFFFFFFFF  }
0x96: {  	s16 =	sld [smem:$0x10];
	(tm) =	ssettm $0x1  }
0x97: {  	s17 =	sld [smem:$0x3FFB];
	_ =	sdelay $0x3  }
0x98: {  	_ =	strace s17  }
0x99: {  	s3 =	sld [smem:$0x3FFC];
	_ =	sdelay $0x3  }
0x9a: {  	_ =	strace s3  }
0x9b: {  	s3 =	sld [smem:$0x3FFD];
	_ =	sdelay $0x3  }
0x9c: {  	_ =	strace s3  }
0x9d: {  	_ =	strace $0x8FFFFFFF  }
0x9e: {  	s18 =	sld [smem:$0x3FDB];
	_ =	sdelay $0x1  }
0x9f: {  	s19 =	simm.s32 $_scs_section_size  }
0xa0: {  	s5 =	simm.s32 $_size__tile_overlayer_lowered;
	s6 =	simm.s32 $_tile_overlayer_lowered  }
0xa1: {  	s22 =	simm.s32 $0x1BFF;
	s21 =	sshll.u32 s6, $0x1;
	s3 =	sadd.s32 s19, s18  }
0xa2: {  	s7 =	simm.s32 $0x0;
	s20 =	sshll.u32 s5, $0x1;
	s5 =	sadd.s32 s21, s3  }
0xa3: {  	[timem:s7], [sflag:s22] =	dma.local [hbm:s5], s20  }
0xa4: {  	_ =	swait.ge [sflag:s22], s20  }
0xa5: {  	s4 =	ssub.s32 $0x0, s20;
	[sflag:s22] =	ssyncset.done $0x0  }
0xa6: {  	[sflag:s22] =	ssyncadd.s32 s4;
	_ =	sdelay $0x1  }
0xa7: {  	s23 =	simm.s32 $0x1B8B  }
0xa8: {  	_ =	swait.ge [sflag:s23], $0x1  }
0xa9: {  	[sflag:s23] =	ssyncset.done $0x0  }
0xaa: {  	s25 =	simm.s32 $0x1B8E;
	s24 =	sld [smem:$0x3FFE];
	[sflag:s23] =	ssyncadd.s32 $0xFFFFFFFF  }
0xab: {  	s26 =	simm.s32 $execute0_lowered;
	[smem:$0x3FD2] =	sst s25  }
0xac: {  	s5 =	sshll.u32 s26, $0x1;
	_ =	strace $0x80000046;
	[dreg:$0x1] =	wrdreg $0xFFFFFFFF  }
0xad: {  	s28 =	simm.s32 $_size_execute0_lowered;
	s3 =	sadd.s32 s3, s5;
	[dreg:$0x0] =	wrdreg $0x0  }
0xae: {  	s5 =	sshll.u32 s28, $0x1;
	[dreg:$0x2] =	wrdreg s3  }
0xaf: {  	[dreg:$0x3] =	wrdreg s5  }
0xb0: {  	[dreg:$0x4] =	wrdreg $0xC0  }
0xb1: {  	_ =	task [dreg:s7], $0x5FFFF  }
0xb2: {  	[dreg:$0x1] =	wrdreg $0xFFFFFFFF  }
0xb3: {  	[dreg:$0x0] =	wrdreg $0x60  }
0xb4: {  	[dreg:$0x2] =	wrdreg s24  }
0xb5: {  	[dreg:$0x3] =	wrdreg s16  }
0xb6: {  	[dreg:$0x4] =	wrdreg $0x173880  }
0xb7: {  	[dreg:$0x5] =	wrdreg $0x9  }
0xb8: {  	_ =	task.clear_ibuf [dreg:s7], $0x6FFFF;
	_ =	strace $0x90000046  }
0xb9: {  	s29 =	simm.s32 $0x9;
	_ =	strace $0x80000048  }
0xba: {  	_ =	swait.ge [sflag:s29], $0x1  }
0xbb: {  	[sflag:s29] =	ssyncadd.s32 $0xFFFFFFFF  }
0xbc: {  	_ =	strace $0x90000048  }
0xbd: {  	_ =	sfence  }
0xbe: {  	s30 =	sld [smem:$0x0];
	_ =	sdelay $0x2  }
0xbf: {  	s31 =	sshll.u32 s1, $0xD;
	s1 =	sshrl.u32 s1, $0x2  }
0xc0: {  	s3 =	sand.u32 $0x4000, s31;
	s1 =	sadd.s32 s1, s30  }
0xc1: {  	s0 =	sor.u32 s3, s0;
	s1 =	sshll.u32 s1, $0x11  }
0xc2: {  	s0 =	sor.u32 s1, s0  }
0xc3: {  	s0 =	sadd.s32 $0x8F2B, s0  }
0xc4: {  	[sflag:s0] =	ssyncadd.remote.s32 $0x1  }
0xc5: {  	_ =	sfence.sel $0xFFFF  }
0xc6: {  	[dreg:$0x0] =	wrdreg $0xFFFFFFFF;
	(pc) =	sbr.abs _section_cstart, $3  }
0xc7: {  	[dreg:$0x1] =	wrdreg $0xFFFFFFFF  }
0xc8: {  	_ =	task.clear_ibuf [dreg:s7], $0x2FFFF;
	_ =	strace $0x9FFFFFFF  }
0xc9: {  	(tm) =	ssettm $0x7FFFFFFF  }
tec
execute0_lowered:
.L_overlay_start_1:
0x0: {  	(tag) =	ssettag $0x1  }
0x1: {  	s1 =	srdreg.scid;
	s5 =	rddreg [dreg:$0x0]  }
0x2: {  	s0 =	stileid.u32;
	s7 =	rddreg [dreg:$0x1]  }
0x3: {  	s2 =	rddreg [dreg:$0x2];
	s3 =	simm.s32 $0x0;
	s12 =	simm.s32 $0x1388  }
0x4: {  	s4 =	sand.u32 $0x1, s1;
	s29 =	sshll.u32 s0, $0x1;
	s9 =	smul.u32 $0x2780, s0  }
0x5: {  	s1 =	sor.u32 s4, s29;
	s10 =	ssub.s32 $0x2, s4;
	s4 =	smul.u32 $0x27800, s4  }
0x6: {  	s15 =	simm.s32 $0x0;
	s13 =	sshll.u32 s0, $0x6;
	s6 =	smul.u32 $0x2710, s1  }
0x7: {  	[smem:$0x7FF] =	sst s3;
	s13 =	sor.u32 $0x1C01, s13;
	s8 =	smul.u32 $0x1388, s1  }
0x8: {  	s1 =	rddreg [dreg:$0x3];
	_ =	strace $0x80000047;
	s11 =	sshrl.u32 s10, $0x1  }
0x9: {  	s10 =	ssub.s32 s10, s11;
	s30 =	sadd.s32 s9, s4;
	s4 =	sadd.s32 s9, s2  }
0xa: {  	s9 =	simm.s32 $0x14C08;
	s11 =	simm.s32 $0x13880;
	s6 =	sadd.s32 s6, s5  }
0xb: {  	s8 =	sshrl.u32 s8, $0x3;
	s31 =	sshrl.u32 s30, $0x3;
	s14 =	sshrl.u32 s4, $0x3  }
0xc: {  	s8 =	sadd.s32 s5, s8;
	s5 =	sadd.s32 $0x2C00, s6;
	s7 =	sadd.s32 s7, s31  }
0xd: {  	v0 =	vimm.f32 $0.0e+00;
	s6 =	sadd.s32 $0x55C20, s8;
	s8 =	smax.u32 s10, $0x1;
	s10 =	simm.s32 $0x1  }
.LBB2_1:
0xe: {  	s16 =	simm.s32 $0x40;
	s17 =	simm.s32 $0x0  }
.LBB2_2:
0xf: {  	p0 =	sne.s32 s16, $0x9DC0;
	[tilespmem:s17+$0x14C08] =	vst v0;
	s17 =	smov.u32 s16;
	s16 =	sadd.s32 $0x40, s16  }
.Ltmp0:
0x10: {  	(pc) =	sbr.rel @p0 .LBB2_2-.Ltmp0, $2  }
0x11: {  	_ =	sdelay $0x2  }
0x12: {  	s17 =	sshra.s32 s17, $0x2  }
0x13: {  	[tilespmem:s17+$0x14C08] =	vst v0  }
0x14: {  	[spmem:s4] =	stream.linear.scatter [tilespmem:s9], [sflag:$0x1], $0x2780, $0x38;
	[tilespmem:$0x19B08] =	vst v63  }
0x15: {  	_ =	swait.ge [sflag:s10], $0x2780  }
0x16: {  	[sflag:s10] =	ssyncset.done $0x0  }
0x17: {  	[sflag:s10] =	ssyncadd.s32 $0xFFFFD880  }
0x18: {  	[bflag:$0x0] =	sbarrier.arrive $0xFFFF  }
0x19: {  	[tilespmem:s3], [sflag:$0x1] =	stream.linear.gather [hbm4b:s5+s3], $0x13880, $0x38;
	[tilespmem:$0x19B08] =	vst v63  }
0x1a: {  	_ =	swait.ge [sflag:s10], $0x13880  }
0x1b: {  	[sflag:s10] =	ssyncset.done $0x0  }
0x1c: {  	[sflag:s10] =	ssyncadd.s32 $0xFFFEC780  }
0x1d: {  	[tilespmem:s11], [sflag:$0x1] =	stream.linear.gather [hbm4b:s6+s3], $0x1388, $0x38;
	[tilespmem:$0x19B08] =	vst v63  }
0x1e: {  	_ =	swait.ge [sflag:s10], $0x1388  }
0x1f: {  	[sflag:s10] =	ssyncset.done $0x0  }
0x20: {  	[sflag:s10] =	ssyncadd.s32 $0xFFFFEC78  }
0x21: {  	[spmem:s2] =	stream.indirect.scatter.add.f32 [tilespmem:s3], [sflag:$0x1], $0x10, s11, s12, $0xb8;
	[tilespmem:$0x19B08] =	vst v63  }
0x22: {  	_ =	swait.ge [sflag:s10], $0x13880  }
0x23: {  	s15 =	sadd.s32 $0x1, s15;
	[sflag:s10] =	ssyncset.done $0x0  }
0x24: {  	p0 =	sne.s32 s15, s8;
	[sflag:s10] =	ssyncadd.s32 $0xFFFEC780  }
.Ltmp1:
0x25: {  	[bflag:$0x0] =	sbarrier.arrive $0xFFFF;
	(pc) =	sbr.rel @p0 .LBB2_1-.Ltmp1, $4  }
0x26: {  	[hbm:s7], [sflag:s13] =	dma.local [spmem:s14], $0x4F0  }
0x27: {  	_ =	swait.ge [sflag:s10], $0x4F0  }
0x28: {  	[sflag:s10] =	ssyncset.done $0x0  }
0x29: {  	[sflag:s10] =	ssyncadd.s32 $0xFFFFFB10  }
0x2a: {  	_ =	sfence.sel $0x180000  }
0x2b: {  	[bflag:$0x0] =	sbarrier.arrive $0xFFFF  }
0x2c: {  	p0 =	sne.s32 s0, $0x0;
	_ =	strace $0x90000047  }
0x2d: {  	s0 =	sadd.s32 @!p0 $0x100000, s1;
	[bflag:$0x2] =	sbarrier.arrive $0xFFFF  }
0x2e: {  	[sflag:s0] =	ssyncadd.tile.s32 @!p0 $0x1;
	_ =	shalt  }
.Lfunc_end2:
_tile_overlayer_lowered:
.L_overlay_start_2:
0x2f: {  	(tag) =	ssettag $0x2  }
0x30: {  	s0 =	rddreg [dreg:$0x0];
	s2 =	stileid.u32  }
0x31: {  	s1 =	rddreg [dreg:$0x1];
	p0 =	sne.s32 s2, $0x0  }
0x32: {  	s3 =	rddreg [dreg:$0x2];
	[bflag:$0x3] =	sbarrier.arrive $0xFFFF;
	s2 =	simm.s32 @!p0 $0x1C01  }
0x33: {  	[timem:s3], [sflag:s2] =	dma.local @!p0 [hbm:s0], s1  }
0x34: {  	s0 =	simm.s32 @!p0 $0x1  }
0x35: {  	_ =	swait.ge @!p0 [sflag:s0], s1  }
0x36: {  	s1 =	ssub.s32 @!p0 $0x0, s1;
	[sflag:s0] =	ssyncset.done @!p0 $0x0  }
0x37: {  	[sflag:s0] =	ssyncadd.s32 @!p0 s1  }
0x38: {  	[bflag:$0x3] =	sbarrier.arrive $0xFFFF  }
0x39: {  	_ =	shalt  }

</sc_bundles>
